<compile_context>
chip_gen: v7x
topology: tpu7x:2x2x1
jax: 0.10.2.dev20260603
libtpu: 0.0.44.dev20260713+nightly
codegen_flags: <defaults>
</compile_context>

<pallas_src>
import functools

import jax
import jax.numpy as jnp
import numpy as np
from jax import lax
from jax.experimental import pallas as pl
from jax.experimental.pallas import tpu as pltpu
from jax.experimental.pallas import tpu_sc as plsc

NUM_CLASSES = 1000
B0 = 4096
B1 = 26
L = 16
NC = 2
NW = 32
D0_PER_W = B0 // NW
N_VEC = D0_PER_W // L
X_PER_W = D0_PER_W * B1

_CONSTS = np.concatenate([
    np.zeros(L, np.int32),
    np.ones(L, np.int32),
    np.arange(D0_PER_W, dtype=np.int32),
])


def _sc_onehot(xt_hbm, c_hbm, z_hbm, o_hbm, buf, xt_a, xt_b, c_l, sem):
    wid = lax.axis_index("s") * NC + lax.axis_index("c")
    xt_base = wid * X_PER_W

    pltpu.sync_copy(c_hbm, c_l)
    pltpu.sync_copy(z_hbm, buf)
    pltpu.sync_copy(xt_hbm.at[pl.ds(xt_base, D0_PER_W)], xt_a)

    def scatter_val(xt_l, val_slot):
        vals = c_l[pl.ds(val_slot * L, L)]
        d1v = c_l[pl.ds(0, L)]
        for v in range(N_VEC):
            d0v = c_l[pl.ds(2 * L + v * L, L)]
            cv = xt_l[pl.ds(v * L, L)]
            plsc.store_scatter(buf, [d1v, cv, d0v], vals)

    def dst(d1):
        return o_hbm.at[
            pl.ds(d1, 1), pl.ds(0, NUM_CLASSES), pl.ds(wid * D0_PER_W, D0_PER_W)
        ]

    def step(d1, xt_cur, xt_other):
        @pl.when(d1 >= 1)
        def _wait_and_clear():
            pltpu.make_async_copy(buf, dst(d1 - 1), sem).wait()
            scatter_val(xt_other, 0)

        scatter_val(xt_cur, 1)
        pltpu.async_copy(buf, dst(d1), sem)

        @pl.when(d1 < B1 - 1)
        def _prefetch():
            pltpu.sync_copy(
                xt_hbm.at[pl.ds(xt_base + (d1 + 1) * D0_PER_W, D0_PER_W)],
                xt_other,
            )

    def pair(i, carry):
        step(2 * i, xt_a, xt_b)
        step(2 * i + 1, xt_b, xt_a)
        return carry

    lax.fori_loop(0, B1 // 2, pair, 0)
    pltpu.make_async_copy(buf, dst(B1 - 1), sem).wait()


@jax.jit
def _onehot_sc(x):
    xt = x.reshape(NW, D0_PER_W, B1).transpose(0, 2, 1).reshape(NW * X_PER_W)
    consts = jnp.asarray(_CONSTS)
    z = jnp.zeros((1, NUM_CLASSES, D0_PER_W), jnp.int32)
    run = functools.partial(
        pl.kernel,
        mesh=plsc.VectorSubcoreMesh(core_axis_name="c", subcore_axis_name="s"),
        compiler_params=pltpu.CompilerParams(
            use_tc_tiling_on_sc=True, needs_layout_passes=False
        ),
        out_type=jax.ShapeDtypeStruct((B1, NUM_CLASSES, B0), jnp.int32),
        scratch_types=[
            pltpu.VMEM((1, NUM_CLASSES, D0_PER_W), jnp.int32),
            pltpu.VMEM((D0_PER_W,), jnp.int32),
            pltpu.VMEM((D0_PER_W,), jnp.int32),
            pltpu.VMEM((len(_CONSTS),), jnp.int32),
            pltpu.SemaphoreType.DMA,
        ],
    )(_sc_onehot)
    out = run(xt, consts, z)
    return jnp.transpose(out, (2, 0, 1))


def kernel(x):
    return _onehot_sc(x)

# --- scband reference (transcript-rebuilt; emitter-appended) ---
"""Pipeline reference for scband-onehot-embedder-22497038696715 (READ-ONLY COPY).

The authoritative reference and input builder live on the scoring server;
editing this copy changes nothing except your own understanding.
"""

import jax, jax.numpy as jnp
import numpy as np

NUM_CLASSES = 1000

def setup_inputs(seed: int = 0) -> dict:
    key = jax.random.key(seed)
    x = jax.random.randint(key, (4096, 26), 0, NUM_CLASSES, dtype=jnp.int32)
    return {"x": x}

def reference(x) -> jnp.ndarray:
    # torch F.one_hot(x, num_classes) returns an integer (long) tensor.
    # jax default int is int32 (int64 requires x64 mode); use int32 here.
    out = jax.nn.one_hot(x, NUM_CLASSES, dtype=jnp.int32)
    return out

if __name__ == "__main__":
    import jax
    _d = setup_inputs()
    print(jax.jit(kernel)(*tuple(_d.values())))

</pallas_src>

<mosaic_0001>
#map = affine_map<(d0, d1) -> (0)>
#map1 = affine_map<(d0, d1) -> (0, 0, 0)>
module attributes {stable_mosaic.version = 14 : i64} {
  func.func @_sc_onehot(%arg0: i32, %arg1: i32, %arg2: memref<106496xi32, #tpu.memory_space<hbm>>, %arg3: memref<160xi32, #tpu.memory_space<hbm>>, %arg4: memref<1x1000x128xi32, #tpu.memory_space<hbm>>, %arg5: memref<26x1000x4096xi32, #tpu.memory_space<hbm>>, %arg6: memref<1x1000x128xi32, #tpu.memory_space<vmem>>, %arg7: memref<128xi32, #tpu.memory_space<vmem>>, %arg8: memref<128xi32, #tpu.memory_space<vmem>>, %arg9: memref<160xi32, #tpu.memory_space<vmem>>, %arg10: memref<!tpu.dma_semaphore, #tpu.memory_space<semaphore_mem>>) attributes {dimension_semantics = [#tpu.dimension_semantics<core_parallel>, #tpu.dimension_semantics<subcore_parallel>], iteration_bounds = array<i64: 2, 16>, scalar_prefetch = 0 : i64, scratch_operands = 5 : i64, tpu.core_type = #tpu.core_type<sc_vector_subcore>, window_params = [{transform_indices = #map}, {transform_indices = #map}, {transform_indices = #map1}, {transform_indices = #map1}]} {
    %mul3A = arith.constant 2 : i32
    %mul3A_0 = arith.muli %arg1, %mul3A : i32
    %add3A = arith.addi %mul3A_0, %arg0 : i32
    %mul3A_1 = arith.constant 3328 : i32
    %mul3A_2 = arith.muli %add3A, %mul3A_1 : i32
    "tpu.region"() ({
      %run_scoped3A = tpu.sem_alloc : memref<!tpu.dma_semaphore, #tpu.memory_space<semaphore_mem>>
      tpu.enqueue_dma source(%arg3 : memref<160xi32, #tpu.memory_space<hbm>>) target(%arg9 : memref<160xi32, #tpu.memory_space<vmem>>) target_semaphore(%run_scoped3A : memref<!tpu.dma_semaphore, #tpu.memory_space<semaphore_mem>>)
      tpu.wait_dma2 semaphore(%run_scoped3A : memref<!tpu.dma_semaphore, #tpu.memory_space<semaphore_mem>>) src(%arg3 : memref<160xi32, #tpu.memory_space<hbm>>) dst(%arg9 : memref<160xi32, #tpu.memory_space<vmem>>)
      tpu.yield
    }) : () -> ()
    "tpu.region"() ({
      %run_scoped3A = tpu.sem_alloc : memref<!tpu.dma_semaphore, #tpu.memory_space<semaphore_mem>>
      tpu.enqueue_dma source(%arg4 : memref<1x1000x128xi32, #tpu.memory_space<hbm>>) target(%arg6 : memref<1x1000x128xi32, #tpu.memory_space<vmem>>) target_semaphore(%run_scoped3A : memref<!tpu.dma_semaphore, #tpu.memory_space<semaphore_mem>>)
      tpu.wait_dma2 semaphore(%run_scoped3A : memref<!tpu.dma_semaphore, #tpu.memory_space<semaphore_mem>>) src(%arg4 : memref<1x1000x128xi32, #tpu.memory_space<hbm>>) dst(%arg6 : memref<1x1000x128xi32, #tpu.memory_space<vmem>>)
      tpu.yield
    }) : () -> ()
    "tpu.region"() ({
      %run_scoped3A = tpu.sem_alloc : memref<!tpu.dma_semaphore, #tpu.memory_space<semaphore_mem>>
      %dma_start3A = tpu.memref_slice %arg2[%mul3A_2] : memref<106496xi32, #tpu.memory_space<hbm>> -> memref<128xi32, #tpu.memory_space<hbm>>
      %dma_start3A_15 = tpu.memref_slice %arg2[%mul3A_2] : memref<106496xi32, #tpu.memory_space<hbm>> -> memref<128xi32, #tpu.memory_space<hbm>>
      tpu.enqueue_dma source(%dma_start3A_15 : memref<128xi32, #tpu.memory_space<hbm>>) target(%arg7 : memref<128xi32, #tpu.memory_space<vmem>>) target_semaphore(%run_scoped3A : memref<!tpu.dma_semaphore, #tpu.memory_space<semaphore_mem>>)
      %dma_wait3A_16 = tpu.memref_slice %arg2[%mul3A_2] : memref<106496xi32, #tpu.memory_space<hbm>> -> memref<128xi32, #tpu.memory_space<hbm>>
      %dma_wait3A_17 = tpu.memref_slice %arg2[%mul3A_2] : memref<106496xi32, #tpu.memory_space<hbm>> -> memref<128xi32, #tpu.memory_space<hbm>>
      tpu.wait_dma2 semaphore(%run_scoped3A : memref<!tpu.dma_semaphore, #tpu.memory_space<semaphore_mem>>) src(%dma_wait3A_17 : memref<128xi32, #tpu.memory_space<hbm>>) dst(%arg7 : memref<128xi32, #tpu.memory_space<vmem>>)
      tpu.yield
    }) : () -> ()
    %scan3A = arith.constant 0 : i32
    %scan3A_3 = arith.constant 0 : i32
    %scan3A_4 = arith.constant 13 : i32
    %scan3A_5 = arith.addi %scan3A_3, %scan3A_4 : i32
    %scan3A_6 = arith.constant 1 : i32
    scf.for %scan3A_15 = %scan3A_3 to %scan3A_5 step %scan3A_6  : i32 {
      %mul3A_16 = arith.constant 2 : i32
      %mul3A_17 = arith.muli %mul3A_16, %scan3A_15 : i32
      %ge3A = arith.constant 1 : i32
      %ge3A_18 = arith.cmpi sge, %mul3A_17, %ge3A : i32
      %convert_element_type3A = arith.extui %ge3A_18 : i1 to i32
      %cond3A = arith.constant 0 : i32
      %cond3A_19 = arith.cmpi ne, %convert_element_type3A, %cond3A : i32
      scf.if %cond3A_19 {
        %sub3A = arith.constant 1 : i32
        %sub3A_120 = arith.subi %mul3A_17, %sub3A : i32
        %mul3A_121 = arith.constant 128 : i32
        %mul3A_122 = arith.muli %add3A, %mul3A_121 : i32
        %dma_wait3A_123 = arith.constant 0 : i32
        %dma_wait3A_124 = tpu.memref_slice %arg5[%sub3A_120, %dma_wait3A_123, %mul3A_122] : memref<26x1000x4096xi32, #tpu.memory_space<hbm>> -> memref<1x1000x128xi32, #tpu.memory_space<hbm>>
        %dma_wait3A_125 = arith.constant 0 : i32
        %dma_wait3A_126 = tpu.memref_slice %arg5[%sub3A_120, %dma_wait3A_125, %mul3A_122] : memref<26x1000x4096xi32, #tpu.memory_space<hbm>> -> memref<1x1000x128xi32, #tpu.memory_space<hbm>>
        tpu.wait_dma2 semaphore(%arg10 : memref<!tpu.dma_semaphore, #tpu.memory_space<semaphore_mem>>) src(%arg6 : memref<1x1000x128xi32, #tpu.memory_space<vmem>>) dst(%dma_wait3A_126 : memref<1x1000x128xi32, #tpu.memory_space<hbm>>)
        %get3A_127 = arith.constant 0 : index
        %get3A_128 = tpu.vector_load %arg9[%get3A_127] {strides = array<i32>} : memref<160xi32, #tpu.memory_space<vmem>>, vector<16xi32>,
        %get3A_129 = arith.constant 0 : index
        %get3A_130 = tpu.vector_load %arg9[%get3A_129] {strides = array<i32>} : memref<160xi32, #tpu.memory_space<vmem>>, vector<16xi32>,
        %get3A_131 = arith.constant 32 : index
        %get3A_132 = tpu.vector_load %arg9[%get3A_131] {strides = array<i32>} : memref<160xi32, #tpu.memory_space<vmem>>, vector<16xi32>,
        %get3A_133 = arith.constant 0 : index
        %get3A_134 = tpu.vector_load %arg8[%get3A_133] {strides = array<i32>} : memref<128xi32, #tpu.memory_space<vmem>>, vector<16xi32>,
        tpu.vector_store_idx %arg6[%get3A_130, %get3A_134, %get3A_132], %get3A_128 : memref<1x1000x128xi32, #tpu.memory_space<vmem>>[vector<16xi32>, vector<16xi32>, vector<16xi32>], vector<16xi32>,
        %get3A_135 = arith.constant 48 : index
        %get3A_136 = tpu.vector_load %arg9[%get3A_135] {strides = array<i32>} : memref<160xi32, #tpu.memory_space<vmem>>, vector<16xi32>,
        %get3A_137 = arith.constant 16 : index
        %get3A_138 = tpu.vector_load %arg8[%get3A_137] {strides = array<i32>} : memref<128xi32, #tpu.memory_space<vmem>>, vector<16xi32>,
        tpu.vector_store_idx %arg6[%get3A_130, %get3A_138, %get3A_136], %get3A_128 : memref<1x1000x128xi32, #tpu.memory_space<vmem>>[vector<16xi32>, vector<16xi32>, vector<16xi32>], vector<16xi32>,
        %get3A_139 = arith.constant 64 : index
        %get3A_140 = tpu.vector_load %arg9[%get3A_139] {strides = array<i32>} : memref<160xi32, #tpu.memory_space<vmem>>, vector<16xi32>,
        %get3A_141 = arith.constant 32 : index
        %get3A_142 = tpu.vector_load %arg8[%get3A_141] {strides = array<i32>} : memref<128xi32, #tpu.memory_space<vmem>>, vector<16xi32>,
        tpu.vector_store_idx %arg6[%get3A_130, %get3A_142, %get3A_140], %get3A_128 : memref<1x1000x128xi32, #tpu.memory_space<vmem>>[vector<16xi32>, vector<16xi32>, vector<16xi32>], vector<16xi32>,
        %get3A_143 = arith.constant 80 : index
        %get3A_144 = tpu.vector_load %arg9[%get3A_143] {strides = array<i32>} : memref<160xi32, #tpu.memory_space<vmem>>, vector<16xi32>,
        %get3A_145 = arith.constant 48 : index
        %get3A_146 = tpu.vector_load %arg8[%get3A_145] {strides = array<i32>} : memref<128xi32, #tpu.memory_space<vmem>>, vector<16xi32>,
        tpu.vector_store_idx %arg6[%get3A_130, %get3A_146, %get3A_144], %get3A_128 : memref<1x1000x128xi32, #tpu.memory_space<vmem>>[vector<16xi32>, vector<16xi32>, vector<16xi32>], vector<16xi32>,
        %get3A_147 = arith.constant 96 : index
        %get3A_148 = tpu.vector_load %arg9[%get3A_147] {strides = array<i32>} : memref<160xi32, #tpu.memory_space<vmem>>, vector<16xi32>,
        %get3A_149 = arith.constant 64 : index
        %get3A_150 = tpu.vector_load %arg8[%get3A_149] {strides = array<i32>} : memref<128xi32, #tpu.memory_space<vmem>>, vector<16xi32>,
        tpu.vector_store_idx %arg6[%get3A_130, %get3A_150, %get3A_148], %get3A_128 : memref<1x1000x128xi32, #tpu.memory_space<vmem>>[vector<16xi32>, vector<16xi32>, vector<16xi32>], vector<16xi32>,
        %get3A_151 = arith.constant 112 : index
        %get3A_152 = tpu.vector_load %arg9[%get3A_151] {strides = array<i32>} : memref<160xi32, #tpu.memory_space<vmem>>, vector<16xi32>,
        %get3A_153 = arith.constant 80 : index
        %get3A_154 = tpu.vector_load %arg8[%get3A_153] {strides = array<i32>} : memref<128xi32, #tpu.memory_space<vmem>>, vector<16xi32>,
        tpu.vector_store_idx %arg6[%get3A_130, %get3A_154, %get3A_152], %get3A_128 : memref<1x1000x128xi32, #tpu.memory_space<vmem>>[vector<16xi32>, vector<16xi32>, vector<16xi32>], vector<16xi32>,
        %get3A_155 = arith.constant 128 : index
        %get3A_156 = tpu.vector_load %arg9[%get3A_155] {strides = array<i32>} : memref<160xi32, #tpu.memory_space<vmem>>, vector<16xi32>,
        %get3A_157 = arith.constant 96 : index
        %get3A_158 = tpu.vector_load %arg8[%get3A_157] {strides = array<i32>} : memref<128xi32, #tpu.memory_space<vmem>>, vector<16xi32>,
        tpu.vector_store_idx %arg6[%get3A_130, %get3A_158, %get3A_156], %get3A_128 : memref<1x1000x128xi32, #tpu.memory_space<vmem>>[vector<16xi32>, vector<16xi32>, vector<16xi32>], vector<16xi32>,
        %get3A_159 = arith.constant 144 : index
        %get3A_160 = tpu.vector_load %arg9[%get3A_159] {strides = array<i32>} : memref<160xi32, #tpu.memory_space<vmem>>, vector<16xi32>,
        %get3A_161 = arith.constant 112 : index
        %get3A_162 = tpu.vector_load %arg8[%get3A_161] {strides = array<i32>} : memref<128xi32, #tpu.memory_space<vmem>>, vector<16xi32>,
        tpu.vector_store_idx %arg6[%get3A_130, %get3A_162, %get3A_160], %get3A_128 : memref<1x1000x128xi32, #tpu.memory_space<vmem>>[vector<16xi32>, vector<16xi32>, vector<16xi32>], vector<16xi32>,
      } else {
      }
      %get3A = arith.constant 16 : index
      %get3A_20 = tpu.vector_load %arg9[%get3A] {strides = array<i32>} : memref<160xi32, #tpu.memory_space<vmem>>, vector<16xi32>,
      %get3A_21 = arith.constant 0 : index
      %get3A_22 = tpu.vector_load %arg9[%get3A_21] {strides = array<i32>} : memref<160xi32, #tpu.memory_space<vmem>>, vector<16xi32>,
      %get3A_23 = arith.constant 32 : index
      %get3A_24 = tpu.vector_load %arg9[%get3A_23] {strides = array<i32>} : memref<160xi32, #tpu.memory_space<vmem>>, vector<16xi32>,
      %get3A_25 = arith.constant 0 : index
      %get3A_26 = tpu.vector_load %arg7[%get3A_25] {strides = array<i32>} : memref<128xi32, #tpu.memory_space<vmem>>, vector<16xi32>,
      tpu.vector_store_idx %arg6[%get3A_22, %get3A_26, %get3A_24], %get3A_20 : memref<1x1000x128xi32, #tpu.memory_space<vmem>>[vector<16xi32>, vector<16xi32>, vector<16xi32>], vector<16xi32>,
      %get3A_27 = arith.constant 48 : index
      %get3A_28 = tpu.vector_load %arg9[%get3A_27] {strides = array<i32>} : memref<160xi32, #tpu.memory_space<vmem>>, vector<16xi32>,
      %get3A_29 = arith.constant 16 : index
      %get3A_30 = tpu.vector_load %arg7[%get3A_29] {strides = array<i32>} : memref<128xi32, #tpu.memory_space<vmem>>, vector<16xi32>,
      tpu.vector_store_idx %arg6[%get3A_22, %get3A_30, %get3A_28], %get3A_20 : memref<1x1000x128xi32, #tpu.memory_space<vmem>>[vector<16xi32>, vector<16xi32>, vector<16xi32>], vector<16xi32>,
      %get3A_31 = arith.constant 64 : index
      %get3A_32 = tpu.vector_load %arg9[%get3A_31] {strides = array<i32>} : memref<160xi32, #tpu.memory_space<vmem>>, vector<16xi32>,
      %get3A_33 = arith.constant 32 : index
      %get3A_34 = tpu.vector_load %arg7[%get3A_33] {strides = array<i32>} : memref<128xi32, #tpu.memory_space<vmem>>, vector<16xi32>,
      tpu.vector_store_idx %arg6[%get3A_22, %get3A_34, %get3A_32], %get3A_20 : memref<1x1000x128xi32, #tpu.memory_space<vmem>>[vector<16xi32>, vector<16xi32>, vector<16xi32>], vector<16xi32>,
      %get3A_35 = arith.constant 80 : index
      %get3A_36 = tpu.vector_load %arg9[%get3A_35] {strides = array<i32>} : memref<160xi32, #tpu.memory_space<vmem>>, vector<16xi32>,
      %get3A_37 = arith.constant 48 : index
      %get3A_38 = tpu.vector_load %arg7[%get3A_37] {strides = array<i32>} : memref<128xi32, #tpu.memory_space<vmem>>, vector<16xi32>,
      tpu.vector_store_idx %arg6[%get3A_22, %get3A_38, %get3A_36], %get3A_20 : memref<1x1000x128xi32, #tpu.memory_space<vmem>>[vector<16xi32>, vector<16xi32>, vector<16xi32>], vector<16xi32>,
      %get3A_39 = arith.constant 96 : index
      %get3A_40 = tpu.vector_load %arg9[%get3A_39] {strides = array<i32>} : memref<160xi32, #tpu.memory_space<vmem>>, vector<16xi32>,
      %get3A_41 = arith.constant 64 : index
      %get3A_42 = tpu.vector_load %arg7[%get3A_41] {strides = array<i32>} : memref<128xi32, #tpu.memory_space<vmem>>, vector<16xi32>,
      tpu.vector_store_idx %arg6[%get3A_22, %get3A_42, %get3A_40], %get3A_20 : memref<1x1000x128xi32, #tpu.memory_space<vmem>>[vector<16xi32>, vector<16xi32>, vector<16xi32>], vector<16xi32>,
      %get3A_43 = arith.constant 112 : index
      %get3A_44 = tpu.vector_load %arg9[%get3A_43] {strides = array<i32>} : memref<160xi32, #tpu.memory_space<vmem>>, vector<16xi32>,
      %get3A_45 = arith.constant 80 : index
      %get3A_46 = tpu.vector_load %arg7[%get3A_45] {strides = array<i32>} : memref<128xi32, #tpu.memory_space<vmem>>, vector<16xi32>,
      tpu.vector_store_idx %arg6[%get3A_22, %get3A_46, %get3A_44], %get3A_20 : memref<1x1000x128xi32, #tpu.memory_space<vmem>>[vector<16xi32>, vector<16xi32>, vector<16xi32>], vector<16xi32>,
      %get3A_47 = arith.constant 128 : index
      %get3A_48 = tpu.vector_load %arg9[%get3A_47] {strides = array<i32>} : memref<160xi32, #tpu.memory_space<vmem>>, vector<16xi32>,
      %get3A_49 = arith.constant 96 : index
      %get3A_50 = tpu.vector_load %arg7[%get3A_49] {strides = array<i32>} : memref<128xi32, #tpu.memory_space<vmem>>, vector<16xi32>,
      tpu.vector_store_idx %arg6[%get3A_22, %get3A_50, %get3A_48], %get3A_20 : memref<1x1000x128xi32, #tpu.memory_space<vmem>>[vector<16xi32>, vector<16xi32>, vector<16xi32>], vector<16xi32>,
      %get3A_51 = arith.constant 144 : index
      %get3A_52 = tpu.vector_load %arg9[%get3A_51] {strides = array<i32>} : memref<160xi32, #tpu.memory_space<vmem>>, vector<16xi32>,
      %get3A_53 = arith.constant 112 : index
      %get3A_54 = tpu.vector_load %arg7[%get3A_53] {strides = array<i32>} : memref<128xi32, #tpu.memory_space<vmem>>, vector<16xi32>,
      tpu.vector_store_idx %arg6[%get3A_22, %get3A_54, %get3A_52], %get3A_20 : memref<1x1000x128xi32, #tpu.memory_space<vmem>>[vector<16xi32>, vector<16xi32>, vector<16xi32>], vector<16xi32>,
      %mul3A_55 = arith.constant 128 : i32
      %mul3A_56 = arith.muli %add3A, %mul3A_55 : i32
      %dma_start3A = arith.constant 0 : i32
      %dma_start3A_57 = tpu.memref_slice %arg5[%mul3A_17, %dma_start3A, %mul3A_56] : memref<26x1000x4096xi32, #tpu.memory_space<hbm>> -> memref<1x1000x128xi32, #tpu.memory_space<hbm>>
      %dma_start3A_58 = arith.constant 0 : i32
      %dma_start3A_59 = tpu.memref_slice %arg5[%mul3A_17, %dma_start3A_58, %mul3A_56] : memref<26x1000x4096xi32, #tpu.memory_space<hbm>> -> memref<1x1000x128xi32, #tpu.memory_space<hbm>>
      tpu.enqueue_dma source(%arg6 : memref<1x1000x128xi32, #tpu.memory_space<vmem>>) target(%dma_start3A_59 : memref<1x1000x128xi32, #tpu.memory_space<hbm>>) target_semaphore(%arg10 : memref<!tpu.dma_semaphore, #tpu.memory_space<semaphore_mem>>)
      %lt3A = arith.constant 25 : i32
      %lt3A_60 = arith.cmpi slt, %mul3A_17, %lt3A : i32
      %convert_element_type3A_61 = arith.extui %lt3A_60 : i1 to i32
      %cond3A_62 = arith.constant 0 : i32
      %cond3A_63 = arith.cmpi ne, %convert_element_type3A_61, %cond3A_62 : i32
      scf.if %cond3A_63 {
        %add3A_120 = arith.constant 1 : i32
        %add3A_121 = arith.addi %mul3A_17, %add3A_120 : i32
        %mul3A_122 = arith.constant 128 : i32
        %mul3A_123 = arith.muli %add3A_121, %mul3A_122 : i32
        %add3A_124 = arith.addi %mul3A_2, %mul3A_123 : i32
        "tpu.region"() ({
          %run_scoped3A = tpu.sem_alloc : memref<!tpu.dma_semaphore, #tpu.memory_space<semaphore_mem>>
          %dma_start3A_125 = tpu.memref_slice %arg2[%add3A_124] : memref<106496xi32, #tpu.memory_space<hbm>> -> memref<128xi32, #tpu.memory_space<hbm>>
          %dma_start3A_126 = tpu.memref_slice %arg2[%add3A_124] : memref<106496xi32, #tpu.memory_space<hbm>> -> memref<128xi32, #tpu.memory_space<hbm>>
          tpu.enqueue_dma source(%dma_start3A_126 : memref<128xi32, #tpu.memory_space<hbm>>) target(%arg8 : memref<128xi32, #tpu.memory_space<vmem>>) target_semaphore(%run_scoped3A : memref<!tpu.dma_semaphore, #tpu.memory_space<semaphore_mem>>)
          %dma_wait3A_127 = tpu.memref_slice %arg2[%add3A_124] : memref<106496xi32, #tpu.memory_space<hbm>> -> memref<128xi32, #tpu.memory_space<hbm>>
          %dma_wait3A_128 = tpu.memref_slice %arg2[%add3A_124] : memref<106496xi32, #tpu.memory_space<hbm>> -> memref<128xi32, #tpu.memory_space<hbm>>
          tpu.wait_dma2 semaphore(%run_scoped3A : memref<!tpu.dma_semaphore, #tpu.memory_space<semaphore_mem>>) src(%dma_wait3A_128 : memref<128xi32, #tpu.memory_space<hbm>>) dst(%arg8 : memref<128xi32, #tpu.memory_space<vmem>>)
          tpu.yield
        }) : () -> ()
      } else {
      }
      %mul3A_64 = arith.constant 2 : i32
      %mul3A_65 = arith.muli %mul3A_64, %scan3A_15 : i32
      %add3A_66 = arith.constant 1 : i32
      %add3A_67 = arith.addi %mul3A_65, %add3A_66 : i32
      %ge3A_68 = arith.constant 1 : i32
      %ge3A_69 = arith.cmpi sge, %add3A_67, %ge3A_68 : i32
      %convert_element_type3A_70 = arith.extui %ge3A_69 : i1 to i32
      %cond3A_71 = arith.constant 0 : i32
      %cond3A_72 = arith.cmpi ne, %convert_element_type3A_70, %cond3A_71 : i32
      scf.if %cond3A_72 {
        %sub3A = arith.constant 1 : i32
        %sub3A_120 = arith.subi %add3A_67, %sub3A : i32
        %mul3A_121 = arith.constant 128 : i32
        %mul3A_122 = arith.muli %add3A, %mul3A_121 : i32
        %dma_wait3A_123 = arith.constant 0 : i32
        %dma_wait3A_124 = tpu.memref_slice %arg5[%sub3A_120, %dma_wait3A_123, %mul3A_122] : memref<26x1000x4096xi32, #tpu.memory_space<hbm>> -> memref<1x1000x128xi32, #tpu.memory_space<hbm>>
        %dma_wait3A_125 = arith.constant 0 : i32
        %dma_wait3A_126 = tpu.memref_slice %arg5[%sub3A_120, %dma_wait3A_125, %mul3A_122] : memref<26x1000x4096xi32, #tpu.memory_space<hbm>> -> memref<1x1000x128xi32, #tpu.memory_space<hbm>>
        tpu.wait_dma2 semaphore(%arg10 : memref<!tpu.dma_semaphore, #tpu.memory_space<semaphore_mem>>) src(%arg6 : memref<1x1000x128xi32, #tpu.memory_space<vmem>>) dst(%dma_wait3A_126 : memref<1x1000x128xi32, #tpu.memory_space<hbm>>)
        %get3A_127 = arith.constant 0 : index
        %get3A_128 = tpu.vector_load %arg9[%get3A_127] {strides = array<i32>} : memref<160xi32, #tpu.memory_space<vmem>>, vector<16xi32>,
        %get3A_129 = arith.constant 0 : index
        %get3A_130 = tpu.vector_load %arg9[%get3A_129] {strides = array<i32>} : memref<160xi32, #tpu.memory_space<vmem>>, vector<16xi32>,
        %get3A_131 = arith.constant 32 : index
        %get3A_132 = tpu.vector_load %arg9[%get3A_131] {strides = array<i32>} : memref<160xi32, #tpu.memory_space<vmem>>, vector<16xi32>,
        %get3A_133 = arith.constant 0 : index
        %get3A_134 = tpu.vector_load %arg7[%get3A_133] {strides = array<i32>} : memref<128xi32, #tpu.memory_space<vmem>>, vector<16xi32>,
        tpu.vector_store_idx %arg6[%get3A_130, %get3A_134, %get3A_132], %get3A_128 : memref<1x1000x128xi32, #tpu.memory_space<vmem>>[vector<16xi32>, vector<16xi32>, vector<16xi32>], vector<16xi32>,
        %get3A_135 = arith.constant 48 : index
        %get3A_136 = tpu.vector_load %arg9[%get3A_135] {strides = array<i32>} : memref<160xi32, #tpu.memory_space<vmem>>, vector<16xi32>,
        %get3A_137 = arith.constant 16 : index
        %get3A_138 = tpu.vector_load %arg7[%get3A_137] {strides = array<i32>} : memref<128xi32, #tpu.memory_space<vmem>>, vector<16xi32>,
        tpu.vector_store_idx %arg6[%get3A_130, %get3A_138, %get3A_136], %get3A_128 : memref<1x1000x128xi32, #tpu.memory_space<vmem>>[vector<16xi32>, vector<16xi32>, vector<16xi32>], vector<16xi32>,
        %get3A_139 = arith.constant 64 : index
        %get3A_140 = tpu.vector_load %arg9[%get3A_139] {strides = array<i32>} : memref<160xi32, #tpu.memory_space<vmem>>, vector<16xi32>,
        %get3A_141 = arith.constant 32 : index
        %get3A_142 = tpu.vector_load %arg7[%get3A_141] {strides = array<i32>} : memref<128xi32, #tpu.memory_space<vmem>>, vector<16xi32>,
        tpu.vector_store_idx %arg6[%get3A_130, %get3A_142, %get3A_140], %get3A_128 : memref<1x1000x128xi32, #tpu.memory_space<vmem>>[vector<16xi32>, vector<16xi32>, vector<16xi32>], vector<16xi32>,
        %get3A_143 = arith.constant 80 : index
        %get3A_144 = tpu.vector_load %arg9[%get3A_143] {strides = array<i32>} : memref<160xi32, #tpu.memory_space<vmem>>, vector<16xi32>,
        %get3A_145 = arith.constant 48 : index
        %get3A_146 = tpu.vector_load %arg7[%get3A_145] {strides = array<i32>} : memref<128xi32, #tpu.memory_space<vmem>>, vector<16xi32>,
        tpu.vector_store_idx %arg6[%get3A_130, %get3A_146, %get3A_144], %get3A_128 : memref<1x1000x128xi32, #tpu.memory_space<vmem>>[vector<16xi32>, vector<16xi32>, vector<16xi32>], vector<16xi32>,
        %get3A_147 = arith.constant 96 : index
        %get3A_148 = tpu.vector_load %arg9[%get3A_147] {strides = array<i32>} : memref<160xi32, #tpu.memory_space<vmem>>, vector<16xi32>,
        %get3A_149 = arith.constant 64 : index
        %get3A_150 = tpu.vector_load %arg7[%get3A_149] {strides = array<i32>} : memref<128xi32, #tpu.memory_space<vmem>>, vector<16xi32>,
        tpu.vector_store_idx %arg6[%get3A_130, %get3A_150, %get3A_148], %get3A_128 : memref<1x1000x128xi32, #tpu.memory_space<vmem>>[vector<16xi32>, vector<16xi32>, vector<16xi32>], vector<16xi32>,
        %get3A_151 = arith.constant 112 : index
        %get3A_152 = tpu.vector_load %arg9[%get3A_151] {strides = array<i32>} : memref<160xi32, #tpu.memory_space<vmem>>, vector<16xi32>,
        %get3A_153 = arith.constant 80 : index
        %get3A_154 = tpu.vector_load %arg7[%get3A_153] {strides = array<i32>} : memref<128xi32, #tpu.memory_space<vmem>>, vector<16xi32>,
        tpu.vector_store_idx %arg6[%get3A_130, %get3A_154, %get3A_152], %get3A_128 : memref<1x1000x128xi32, #tpu.memory_space<vmem>>[vector<16xi32>, vector<16xi32>, vector<16xi32>], vector<16xi32>,
        %get3A_155 = arith.constant 128 : index
        %get3A_156 = tpu.vector_load %arg9[%get3A_155] {strides = array<i32>} : memref<160xi32, #tpu.memory_space<vmem>>, vector<16xi32>,
        %get3A_157 = arith.constant 96 : index
        %get3A_158 = tpu.vector_load %arg7[%get3A_157] {strides = array<i32>} : memref<128xi32, #tpu.memory_space<vmem>>, vector<16xi32>,
        tpu.vector_store_idx %arg6[%get3A_130, %get3A_158, %get3A_156], %get3A_128 : memref<1x1000x128xi32, #tpu.memory_space<vmem>>[vector<16xi32>, vector<16xi32>, vector<16xi32>], vector<16xi32>,
        %get3A_159 = arith.constant 144 : index
        %get3A_160 = tpu.vector_load %arg9[%get3A_159] {strides = array<i32>} : memref<160xi32, #tpu.memory_space<vmem>>, vector<16xi32>,
        %get3A_161 = arith.constant 112 : index
        %get3A_162 = tpu.vector_load %arg7[%get3A_161] {strides = array<i32>} : memref<128xi32, #tpu.memory_space<vmem>>, vector<16xi32>,
        tpu.vector_store_idx %arg6[%get3A_130, %get3A_162, %get3A_160], %get3A_128 : memref<1x1000x128xi32, #tpu.memory_space<vmem>>[vector<16xi32>, vector<16xi32>, vector<16xi32>], vector<16xi32>,
      } else {
      }
      %get3A_73 = arith.constant 16 : index
      %get3A_74 = tpu.vector_load %arg9[%get3A_73] {strides = array<i32>} : memref<160xi32, #tpu.memory_space<vmem>>, vector<16xi32>,
      %get3A_75 = arith.constant 0 : index
      %get3A_76 = tpu.vector_load %arg9[%get3A_75] {strides = array<i32>} : memref<160xi32, #tpu.memory_space<vmem>>, vector<16xi32>,
      %get3A_77 = arith.constant 32 : index
      %get3A_78 = tpu.vector_load %arg9[%get3A_77] {strides = array<i32>} : memref<160xi32, #tpu.memory_space<vmem>>, vector<16xi32>,
      %get3A_79 = arith.constant 0 : index
      %get3A_80 = tpu.vector_load %arg8[%get3A_79] {strides = array<i32>} : memref<128xi32, #tpu.memory_space<vmem>>, vector<16xi32>,
      tpu.vector_store_idx %arg6[%get3A_76, %get3A_80, %get3A_78], %get3A_74 : memref<1x1000x128xi32, #tpu.memory_space<vmem>>[vector<16xi32>, vector<16xi32>, vector<16xi32>], vector<16xi32>,
      %get3A_81 = arith.constant 48 : index
      %get3A_82 = tpu.vector_load %arg9[%get3A_81] {strides = array<i32>} : memref<160xi32, #tpu.memory_space<vmem>>, vector<16xi32>,
      %get3A_83 = arith.constant 16 : index
      %get3A_84 = tpu.vector_load %arg8[%get3A_83] {strides = array<i32>} : memref<128xi32, #tpu.memory_space<vmem>>, vector<16xi32>,
      tpu.vector_store_idx %arg6[%get3A_76, %get3A_84, %get3A_82], %get3A_74 : memref<1x1000x128xi32, #tpu.memory_space<vmem>>[vector<16xi32>, vector<16xi32>, vector<16xi32>], vector<16xi32>,
      %get3A_85 = arith.constant 64 : index
      %get3A_86 = tpu.vector_load %arg9[%get3A_85] {strides = array<i32>} : memref<160xi32, #tpu.memory_space<vmem>>, vector<16xi32>,
      %get3A_87 = arith.constant 32 : index
      %get3A_88 = tpu.vector_load %arg8[%get3A_87] {strides = array<i32>} : memref<128xi32, #tpu.memory_space<vmem>>, vector<16xi32>,
      tpu.vector_store_idx %arg6[%get3A_76, %get3A_88, %get3A_86], %get3A_74 : memref<1x1000x128xi32, #tpu.memory_space<vmem>>[vector<16xi32>, vector<16xi32>, vector<16xi32>], vector<16xi32>,
      %get3A_89 = arith.constant 80 : index
      %get3A_90 = tpu.vector_load %arg9[%get3A_89] {strides = array<i32>} : memref<160xi32, #tpu.memory_space<vmem>>, vector<16xi32>,
      %get3A_91 = arith.constant 48 : index
      %get3A_92 = tpu.vector_load %arg8[%get3A_91] {strides = array<i32>} : memref<128xi32, #tpu.memory_space<vmem>>, vector<16xi32>,
      tpu.vector_store_idx %arg6[%get3A_76, %get3A_92, %get3A_90], %get3A_74 : memref<1x1000x128xi32, #tpu.memory_space<vmem>>[vector<16xi32>, vector<16xi32>, vector<16xi32>], vector<16xi32>,
      %get3A_93 = arith.constant 96 : index
      %get3A_94 = tpu.vector_load %arg9[%get3A_93] {strides = array<i32>} : memref<160xi32, #tpu.memory_space<vmem>>, vector<16xi32>,
      %get3A_95 = arith.constant 64 : index
      %get3A_96 = tpu.vector_load %arg8[%get3A_95] {strides = array<i32>} : memref<128xi32, #tpu.memory_space<vmem>>, vector<16xi32>,
      tpu.vector_store_idx %arg6[%get3A_76, %get3A_96, %get3A_94], %get3A_74 : memref<1x1000x128xi32, #tpu.memory_space<vmem>>[vector<16xi32>, vector<16xi32>, vector<16xi32>], vector<16xi32>,
      %get3A_97 = arith.constant 112 : index
      %get3A_98 = tpu.vector_load %arg9[%get3A_97] {strides = array<i32>} : memref<160xi32, #tpu.memory_space<vmem>>, vector<16xi32>,
      %get3A_99 = arith.constant 80 : index
      %get3A_100 = tpu.vector_load %arg8[%get3A_99] {strides = array<i32>} : memref<128xi32, #tpu.memory_space<vmem>>, vector<16xi32>,
      tpu.vector_store_idx %arg6[%get3A_76, %get3A_100, %get3A_98], %get3A_74 : memref<1x1000x128xi32, #tpu.memory_space<vmem>>[vector<16xi32>, vector<16xi32>, vector<16xi32>], vector<16xi32>,
      %get3A_101 = arith.constant 128 : index
      %get3A_102 = tpu.vector_load %arg9[%get3A_101] {strides = array<i32>} : memref<160xi32, #tpu.memory_space<vmem>>, vector<16xi32>,
      %get3A_103 = arith.constant 96 : index
      %get3A_104 = tpu.vector_load %arg8[%get3A_103] {strides = array<i32>} : memref<128xi32, #tpu.memory_space<vmem>>, vector<16xi32>,
      tpu.vector_store_idx %arg6[%get3A_76, %get3A_104, %get3A_102], %get3A_74 : memref<1x1000x128xi32, #tpu.memory_space<vmem>>[vector<16xi32>, vector<16xi32>, vector<16xi32>], vector<16xi32>,
      %get3A_105 = arith.constant 144 : index
      %get3A_106 = tpu.vector_load %arg9[%get3A_105] {strides = array<i32>} : memref<160xi32, #tpu.memory_space<vmem>>, vector<16xi32>,
      %get3A_107 = arith.constant 112 : index
      %get3A_108 = tpu.vector_load %arg8[%get3A_107] {strides = array<i32>} : memref<128xi32, #tpu.memory_space<vmem>>, vector<16xi32>,
      tpu.vector_store_idx %arg6[%get3A_76, %get3A_108, %get3A_106], %get3A_74 : memref<1x1000x128xi32, #tpu.memory_space<vmem>>[vector<16xi32>, vector<16xi32>, vector<16xi32>], vector<16xi32>,
      %mul3A_109 = arith.constant 128 : i32
      %mul3A_110 = arith.muli %add3A, %mul3A_109 : i32
      %dma_start3A_111 = arith.constant 0 : i32
      %dma_start3A_112 = tpu.memref_slice %arg5[%add3A_67, %dma_start3A_111, %mul3A_110] : memref<26x1000x4096xi32, #tpu.memory_space<hbm>> -> memref<1x1000x128xi32, #tpu.memory_space<hbm>>
      %dma_start3A_113 = arith.constant 0 : i32
      %dma_start3A_114 = tpu.memref_slice %arg5[%add3A_67, %dma_start3A_113, %mul3A_110] : memref<26x1000x4096xi32, #tpu.memory_space<hbm>> -> memref<1x1000x128xi32, #tpu.memory_space<hbm>>
      tpu.enqueue_dma source(%arg6 : memref<1x1000x128xi32, #tpu.memory_space<vmem>>) target(%dma_start3A_114 : memref<1x1000x128xi32, #tpu.memory_space<hbm>>) target_semaphore(%arg10 : memref<!tpu.dma_semaphore, #tpu.memory_space<semaphore_mem>>)
      %lt3A_115 = arith.constant 25 : i32
      %lt3A_116 = arith.cmpi slt, %add3A_67, %lt3A_115 : i32
      %convert_element_type3A_117 = arith.extui %lt3A_116 : i1 to i32
      %cond3A_118 = arith.constant 0 : i32
      %cond3A_119 = arith.cmpi ne, %convert_element_type3A_117, %cond3A_118 : i32
      scf.if %cond3A_119 {
        %add3A_120 = arith.constant 1 : i32
        %add3A_121 = arith.addi %add3A_67, %add3A_120 : i32
        %mul3A_122 = arith.constant 128 : i32
        %mul3A_123 = arith.muli %add3A_121, %mul3A_122 : i32
        %add3A_124 = arith.addi %mul3A_2, %mul3A_123 : i32
        "tpu.region"() ({
          %run_scoped3A = tpu.sem_alloc : memref<!tpu.dma_semaphore, #tpu.memory_space<semaphore_mem>>
          %dma_start3A_125 = tpu.memref_slice %arg2[%add3A_124] : memref<106496xi32, #tpu.memory_space<hbm>> -> memref<128xi32, #tpu.memory_space<hbm>>
          %dma_start3A_126 = tpu.memref_slice %arg2[%add3A_124] : memref<106496xi32, #tpu.memory_space<hbm>> -> memref<128xi32, #tpu.memory_space<hbm>>
          tpu.enqueue_dma source(%dma_start3A_126 : memref<128xi32, #tpu.memory_space<hbm>>) target(%arg7 : memref<128xi32, #tpu.memory_space<vmem>>) target_semaphore(%run_scoped3A : memref<!tpu.dma_semaphore, #tpu.memory_space<semaphore_mem>>)
          %dma_wait3A_127 = tpu.memref_slice %arg2[%add3A_124] : memref<106496xi32, #tpu.memory_space<hbm>> -> memref<128xi32, #tpu.memory_space<hbm>>
          %dma_wait3A_128 = tpu.memref_slice %arg2[%add3A_124] : memref<106496xi32, #tpu.memory_space<hbm>> -> memref<128xi32, #tpu.memory_space<hbm>>
          tpu.wait_dma2 semaphore(%run_scoped3A : memref<!tpu.dma_semaphore, #tpu.memory_space<semaphore_mem>>) src(%dma_wait3A_128 : memref<128xi32, #tpu.memory_space<hbm>>) dst(%arg7 : memref<128xi32, #tpu.memory_space<vmem>>)
          tpu.yield
        }) : () -> ()
      } else {
      }
    }
    %scan3A_7 = arith.constant 13 : i32
    %mul3A_8 = arith.constant 128 : i32
    %mul3A_9 = arith.muli %add3A, %mul3A_8 : i32
    %dma_wait3A = arith.constant 25 : i32
    %dma_wait3A_10 = arith.constant 0 : i32
    %dma_wait3A_11 = tpu.memref_slice %arg5[%dma_wait3A, %dma_wait3A_10, %mul3A_9] : memref<26x1000x4096xi32, #tpu.memory_space<hbm>> -> memref<1x1000x128xi32, #tpu.memory_space<hbm>>
    %dma_wait3A_12 = arith.constant 25 : i32
    %dma_wait3A_13 = arith.constant 0 : i32
    %dma_wait3A_14 = tpu.memref_slice %arg5[%dma_wait3A_12, %dma_wait3A_13, %mul3A_9] : memref<26x1000x4096xi32, #tpu.memory_space<hbm>> -> memref<1x1000x128xi32, #tpu.memory_space<hbm>>
    tpu.wait_dma2 semaphore(%arg10 : memref<!tpu.dma_semaphore, #tpu.memory_space<semaphore_mem>>) src(%arg6 : memref<1x1000x128xi32, #tpu.memory_space<vmem>>) dst(%dma_wait3A_14 : memref<1x1000x128xi32, #tpu.memory_space<hbm>>)
    return
  }
}

</mosaic_0001>

<sc_bundles>
// kernel: _onehot_sc.3.cloned.1.call-start
scs
__scs_entry_jumppad:
0x0: {  	(pc) =	sbr.rel $0x88, $3  }
0x1: {  	(tag) =	ssettag $0x0;
	lr =	simm.s32 $0x1  }
0x2: {  	[smem:$0x3FA0] =	sst lr;
	_ =	strace $0xD0000000  }
0x3: {  	_ = 	snop  }
0x4: {  	_ = 	snop  }
0x5: {  	_ = 	snop  }
0x6: {  	_ = 	snop  }
0x7: {  	_ = 	snop  }
__scs_overlays_trampoline_lowered:
0x8: {  	[smem:$0x3FAF] =	sst s0  }
0x9: {  	[smem:$0x3FB0] =	sst s1  }
0xa: {  	[smem:$0x3FB1] =	sst s2  }
0xb: {  	[smem:$0x3FB2] =	sst s3  }
0xc: {  	[smem:$0x3FB3] =	sst s4  }
0xd: {  	[smem:$0x3FB4] =	sst s5  }
0xe: {  	[smem:$0x3FB5] =	sst s6  }
0xf: {  	[smem:$0x3FB6] =	sst s7  }
0x10: {  	[smem:$0x3FB7] =	sst s8  }
0x11: {  	[smem:$0x3FB8] =	sst s9;
	s0 =	simm.s32 @!p0 $0x0  }
0x12: {  	s1 =	sld [smem:$0x3F9E];
	s0 =	simm.s32 @p0 $0x1  }
0x13: {  	[smem:$0x3FB9] =	sst s0;
	s0 =	simm.s32 @!p1 $0x0  }
0x14: {  	s2 =	sld [smem:$0x3F9D];
	s0 =	simm.s32 @p1 $0x1  }
0x15: {  	[smem:$0x3FBA] =	sst s0;
	s0 =	simm.s32 @!p2 $0x0  }
0x16: {  	s3 =	sld [smem:$0x3FDB];
	s0 =	simm.s32 @p2 $0x1  }
0x17: {  	s4 =	simm.s32 $0x1BF5;
	[smem:$0x3FBC] =	sst s0  }
0x18: {  	s0 =	sld [smem:$0x3F9F];
	_ =	swait.ge [sflag:s4], $0x0  }
0x19: {  	s7 =	sld [smem:$0x3FA0]  }
0x1a: {  	s8 =	sadd.s32 $0xFFFFE003, lr  }
0x1b: {  	s9 =	sadd.s32 $0xFFFFFEF7, lr;
	s5 =	simm.s32 $0xFFFFFFFF;
	p2 =	slt.u32 s8, $0xFFFFF086  }
0x1c: {  	p1 =	slt.u32 s9, $0xF7A;
	s5 =	simm.s32 @!p2 $0x0  }
0x1d: {  	s5 =	simm.s32 @p1 $0x1;
	p0 =	seq.s32 s7, s2  }
0x1e: {  	s7 =	smul.u32 @!p0 $0xF7A, s2;
	p2 =	seq.s32 @!p0 s5, $0x0  }
0x1f: {  	s9 =	smul.u32 $0xF7A, s1;
	s8 =	simm.s32 @!p0 $0x1BF5;
	p2 =	por !p2, p0  }
0x20: {  	[sflag:s8] =	ssyncset.s32 @!p0 $0xFFFFF086;
	s6 =	sadd.s32 @!p0 s3, s7;
	s7 =	simm.s32 @!p0 $0x108  }
0x21: {  	s3 =	sadd.s32 s3, s9;
	s6 =	sadd.s32 @!p0 $0x88, s6;
	s7 =	simm.s32 @p2 $0x1082  }
0x22: {  	[simem:s7], [sflag:s8] =	dma.local @!p0 [hbm:s6], $0xF7A  }
0x23: {  	s9 =	sor.u32 $0xD0000000, s2;
	s6 =	simm.s32 $0x108;
	_ =	swait.ge @!p0 [sflag:s8], $0x0  }
0x24: {  	s3 =	sadd.s32 $0x88, s3;
	s6 =	simm.s32 @!p1 $0x1082;
	[sflag:s4] =	ssyncset.s32 $0xFFFFF086  }
0x25: {  	[simem:s6], [sflag:s4] =	dma.local [hbm:s3], $0xF7A  }
0x26: {  	[smem:$0x3FA0] =	sst s1;
	(tag) =	ssettag s2;
	_ =	strace s9  }
0x27: {  	s1 =	sld [smem:$0x3FB0]  }
0x28: {  	s2 =	sld [smem:$0x3FB1]  }
0x29: {  	s4 =	sld [smem:$0x3FB3]  }
0x2a: {  	p0 =	seq.s32 s5, $0x0;
	s5 =	sld [smem:$0x3FB4]  }
0x2b: {  	s6 =	sld [smem:$0x3FB5]  }
0x2c: {  	s7 =	sld [smem:$0x3FB6]  }
0x2d: {  	s3 =	simm.s32 $0x108;
	s8 =	sld [smem:$0x3FB7]  }
0x2e: {  	s3 =	simm.s32 @!p0 $0x1082;
	s9 =	sld [smem:$0x3FB8]  }
0x2f: {  	lr =	sadd.s32 s0, s3;
	s0 =	sld [smem:$0x3FAF]  }
0x30: {  	s3 =	sld [smem:$0x3FB2]  }
0x31: {  	[smem:$0x3FBB] =	sst s10  }
0x32: {  	s10 =	sld [smem:$0x3FB9];
	_ =	sdelay $0x3  }
0x33: {  	p0 =	seq.s32 s10, $0x1;
	s10 =	sld [smem:$0x3FBB];
	_ =	sdelay $0x3  }
0x34: {  	[smem:$0x3FBB] =	sst s10  }
0x35: {  	s10 =	sld [smem:$0x3FBA];
	_ =	sdelay $0x3  }
0x36: {  	p1 =	seq.s32 s10, $0x1;
	s10 =	sld [smem:$0x3FBB];
	_ =	sdelay $0x3  }
0x37: {  	[smem:$0x3FBB] =	sst s10  }
0x38: {  	s10 =	sld [smem:$0x3FBC]  }
0x39: {  	_ = 	snop;
	(pc) =	sbr.ind lr, $3  }
0x3a: {  	_ = 	snop  }
0x3b: {  	_ = 	snop  }
0x3c: {  	p2 =	seq.s32 s10, $0x1;
	s10 =	sld [smem:$0x3FBB]  }
0x3d: {  	_ =	shalt  }
0x3e: {  	_ =	shalt  }
0x3f: {  	_ =	shalt  }
0x40: {  	_ =	shalt  }
0x41: {  	_ =	shalt  }
0x42: {  	_ =	shalt  }
0x43: {  	_ =	shalt  }
0x44: {  	_ =	shalt  }
0x45: {  	_ =	shalt  }
0x46: {  	_ =	shalt  }
0x47: {  	_ =	shalt  }
0x48: {  	_ =	shalt  }
0x49: {  	_ =	shalt  }
0x4a: {  	_ =	shalt  }
0x4b: {  	_ =	shalt  }
0x4c: {  	_ =	shalt  }
0x4d: {  	_ =	shalt  }
0x4e: {  	_ =	shalt  }
0x4f: {  	_ =	shalt  }
0x50: {  	_ =	shalt  }
0x51: {  	_ =	shalt  }
0x52: {  	_ =	shalt  }
0x53: {  	_ =	shalt  }
0x54: {  	_ =	shalt  }
0x55: {  	_ =	shalt  }
0x56: {  	_ =	shalt  }
0x57: {  	_ =	shalt  }
0x58: {  	_ =	shalt  }
0x59: {  	_ =	shalt  }
0x5a: {  	_ =	shalt  }
0x5b: {  	_ =	shalt  }
0x5c: {  	_ =	shalt  }
0x5d: {  	_ =	shalt  }
0x5e: {  	_ =	shalt  }
0x5f: {  	_ =	shalt  }
0x60: {  	_ =	shalt  }
0x61: {  	_ =	shalt  }
0x62: {  	_ =	shalt  }
0x63: {  	_ =	shalt  }
0x64: {  	_ =	shalt  }
0x65: {  	_ =	shalt  }
0x66: {  	_ =	shalt  }
0x67: {  	_ =	shalt  }
0x68: {  	_ =	shalt  }
0x69: {  	_ =	shalt  }
0x6a: {  	_ =	shalt  }
0x6b: {  	_ =	shalt  }
0x6c: {  	_ =	shalt  }
0x6d: {  	_ =	shalt  }
0x6e: {  	_ =	shalt  }
0x6f: {  	_ =	shalt  }
0x70: {  	_ =	shalt  }
0x71: {  	_ =	shalt  }
0x72: {  	_ =	shalt  }
0x73: {  	_ =	shalt  }
0x74: {  	_ =	shalt  }
0x75: {  	_ =	shalt  }
0x76: {  	_ =	shalt  }
0x77: {  	_ =	shalt  }
0x78: {  	_ =	shalt  }
0x79: {  	_ =	shalt  }
0x7a: {  	_ =	shalt  }
0x7b: {  	_ =	shalt  }
0x7c: {  	_ =	shalt  }
0x7d: {  	_ =	shalt  }
0x7e: {  	_ =	shalt  }
0x7f: {  	_ =	shalt  }
0x80: {  	_ =	shalt  }
0x81: {  	_ =	shalt  }
0x82: {  	_ =	shalt  }
0x83: {  	_ =	shalt  }
0x84: {  	_ =	shalt  }
0x85: {  	_ =	shalt  }
0x86: {  	_ =	shalt  }
0x87: {  	_ =	shalt  }
.Lfunc_end0:
.L_simem_size_0:
called_computation_lowered:
.L_overlay_start_0:
0x88: {  	s2 =	sld [smem:$0x3FD9]  }
0x89: {  	s3 =	sld [smem:$0x3FFE];
	_ =	sdelay $0x1  }
0x8a: {  	s1 =	srdreg.scid  }
0x8b: {  	s0 =	sand.u32 $0x1, s1  }
0x8c: {  	s17 =	sshll.u32 s0, $0xA;
	s2 =	sadd.s32 s3, s2  }
0x8d: {  	s2 =	sadd.s32 s2, s17  }
0x8e: {  	[smem:$0x3FC7] =	sst s2  }
0x8f: {  	_ = 	snop  }
0x90: {  	s2 =	sld [smem:$0x3FD0];
	(tm) =	ssettm $0x1  }
0x91: {  	s18 =	sld [smem:$0x3FFB];
	_ =	sdelay $0x3  }
0x92: {  	_ =	strace s18  }
0x93: {  	s3 =	sld [smem:$0x3FFC];
	_ =	sdelay $0x3  }
0x94: {  	_ =	strace s3  }
0x95: {  	s3 =	sld [smem:$0x3FFD];
	_ =	sdelay $0x3  }
0x96: {  	_ =	strace s3  }
0x97: {  	_ =	strace $0x8FFFFFFF  }
0x98: {  	s19 =	sld [smem:$0x3FDB];
	_ =	sdelay $0x1  }
0x99: {  	s4 =	simm.s32 $_scs_section_size  }
0x9a: {  	s5 =	simm.s32 $_size__tile_overlayer_lowered;
	s6 =	simm.s32 $_tile_overlayer_lowered  }
0x9b: {  	s22 =	simm.s32 $0x1BFF;
	s21 =	sshll.u32 s6, $0x1;
	s3 =	sadd.s32 s4, s19  }
0x9c: {  	s7 =	simm.s32 $0x0;
	s20 =	sshll.u32 s5, $0x1;
	s5 =	sadd.s32 s21, s3  }
0x9d: {  	[timem:s7], [sflag:s22] =	dma.local [hbm:s5], s20  }
0x9e: {  	_ =	swait.ge [sflag:s22], s20  }
0x9f: {  	s4 =	ssub.s32 $0x0, s20;
	[sflag:s22] =	ssyncset.done $0x0  }
0xa0: {  	[sflag:s22] =	ssyncadd.s32 s4;
	_ =	sdelay $0x1  }
0xa1: {  	s23 =	simm.s32 $0x1B8B  }
0xa2: {  	_ =	swait.ge [sflag:s23], $0x1  }
0xa3: {  	[sflag:s23] =	ssyncset.done $0x0  }
0xa4: {  	s25 =	simm.s32 $0x1B8E;
	s24 =	sld [smem:$0x3FFE];
	[sflag:s23] =	ssyncadd.s32 $0xFFFFFFFF  }
0xa5: {  	s26 =	simm.s32 $execute0_lowered;
	[smem:$0x3FD2] =	sst s25  }
0xa6: {  	s5 =	sshll.u32 s26, $0x1;
	_ =	strace $0x80000046;
	[dreg:$0x1] =	wrdreg $0xFFFFFFFF  }
0xa7: {  	s28 =	simm.s32 $_size_execute0_lowered;
	s3 =	sadd.s32 s3, s5;
	[dreg:$0x0] =	wrdreg $0x0  }
0xa8: {  	s5 =	sshll.u32 s28, $0x1;
	[dreg:$0x2] =	wrdreg s3  }
0xa9: {  	[dreg:$0x3] =	wrdreg s5  }
0xaa: {  	[dreg:$0x4] =	wrdreg $0xC0  }
0xab: {  	_ =	task [dreg:s7], $0x5FFFF  }
0xac: {  	[dreg:$0x1] =	wrdreg $0xFFFFFFFF  }
0xad: {  	[dreg:$0x0] =	wrdreg $0x60  }
0xae: {  	[dreg:$0x2] =	wrdreg s24  }
0xaf: {  	[dreg:$0x3] =	wrdreg s2  }
0xb0: {  	[dreg:$0x4] =	wrdreg $0x9  }
0xb1: {  	_ =	task.clear_ibuf [dreg:s7], $0x5FFFF;
	_ =	strace $0x90000046  }
0xb2: {  	s29 =	simm.s32 $0x9;
	_ =	strace $0x80000048  }
0xb3: {  	_ =	swait.ge [sflag:s29], $0x1  }
0xb4: {  	[sflag:s29] =	ssyncadd.s32 $0xFFFFFFFF  }
0xb5: {  	_ =	strace $0x90000048  }
0xb6: {  	_ =	sfence  }
0xb7: {  	s30 =	sld [smem:$0x0];
	_ =	sdelay $0x2  }
0xb8: {  	s31 =	sshll.u32 s1, $0xD;
	s1 =	sshrl.u32 s1, $0x2  }
0xb9: {  	s3 =	sand.u32 $0x4000, s31;
	s1 =	sadd.s32 s1, s30  }
0xba: {  	s0 =	sor.u32 s3, s0;
	s1 =	sshll.u32 s1, $0x11  }
0xbb: {  	s0 =	sor.u32 s1, s0  }
0xbc: {  	s0 =	sadd.s32 $0x8F2B, s0  }
0xbd: {  	[sflag:s0] =	ssyncadd.remote.s32 $0x1  }
0xbe: {  	_ =	sfence.sel $0xFFFF  }
0xbf: {  	[dreg:$0x0] =	wrdreg $0xFFFFFFFF;
	(pc) =	sbr.abs _section_cstart, $3  }
0xc0: {  	[dreg:$0x1] =	wrdreg $0xFFFFFFFF  }
0xc1: {  	_ =	task.clear_ibuf [dreg:s7], $0x2FFFF;
	_ =	strace $0x9FFFFFFF  }
0xc2: {  	(tm) =	ssettm $0x7FFFFFFF  }
0xc3: {  	_ =	shalt  }
tec
execute0_lowered:
.L_overlay_start_1:
0x0: {  	(tag) =	ssettag $0x1  }
0x1: {  	s5 =	rddreg [dreg:$0x0]  }
0x2: {  	s11 =	rddreg [dreg:$0x1]  }
0x3: {  	s0 =	rddreg [dreg:$0x2];
	s2 =	simm.s32 $0x0  }
0x4: {  	s3 =	srdreg.scid;
	s1 =	stileid.u32;
	s14 =	simm.s32 $0x1F400  }
0x5: {  	s15 =	simm.s32 $0x400;
	s16 =	simm.s32 $0x8000;
	s17 =	simm.s32 $0x1F480  }
0x6: {  	s18 =	simm.s32 $0x3;
	s19 =	simm.s32 $0x1;
	s20 =	simm.s32 $0x0  }
0x7: {  	[smem:$0x7FF] =	sst s2;
	s7 =	sand.u32 $0x1, s3;
	s4 =	sshll.u32 s1, $0x1  }
0x8: {  	s3 =	sadd.s32 $0x400, s5;
	s10 =	smul.u32 $0x1A00, s1;
	s12 =	sshll.u32 s1, $0xB  }
0x9: {  	_ =	strace $0x80000047;
	s6 =	sor.u32 s7, s4;
	s4 =	sadd.s32 $0x3800, s5  }
0xa: {  	s8 =	ssub.s32 $0x2, s7;
	s5 =	sadd.s32 $0x3A00, s5;
	s30 =	smul.u32 $0xD00, s7  }
0xb: {  	s13 =	sshll.u32 s7, $0xA;
	s6 =	smul.u32 $0xD00, s6;
	s9 =	sshrl.u32 s8, $0x1  }
0xc: {  	s31 =	sor.u32 s13, s12;
	s13 =	simm.s32 $0x2;
	s8 =	ssub.s32 s8, s9  }
.Ltmp0:
0xd: {  	s9 =	sadd.s32 s30, s10;
	s12 =	sor.u32 $0x3E8000, s31;
	(pc) =	sbr.rel .LBB2_1-.Ltmp0, $4  }
0xe: {  	s10 =	sshrl.u32 s31, $0x3;
	s6 =	sshrl.u32 s6, $0x3;
	s7 =	smax.u32 s8, $0x1  }
0xf: {  	s8 =	sadd.s32 $0x100, s9;
	s9 =	sor.u32 $0x80, s9;
	s12 =	sshrl.u32 s12, $0x3  }
0x10: {  	s10 =	sadd.s32 s10, s11;
	s6 =	sadd.s32 s3, s6;
	s9 =	sshrl.u32 s9, $0x3  }
0x11: {  	s11 =	sadd.s32 s12, s11;
	s12 =	simm.s32 $0x1F500;
	s9 =	sadd.s32 s9, s3  }
.LBB2_5:
0x12: {  	s20 =	sadd.s32 $0x1, s20  }
0x13: {  	p0 =	sne.s32 s20, s7  }
.Ltmp1:
0x14: {  	_ = 	snop;
	(pc) =	sbr.rel @!p0 .LBB2_6-.Ltmp1, $4  }
0x15: {  	_ = 	snop  }
0x16: {  	_ =	swait.ge [sflag:s19], $0x1F400  }
0x17: {  	[sflag:s19] =	ssyncset.done $0x0  }
0x18: {  	[sflag:s19] =	ssyncadd.s32 $0xFFFE0C00  }
.LBB2_1:
0x19: {  	[tilespmem:s12], [sflag:$0x2] =	stream.linear.gather [hbm4b:s4+s2], $0x100, $0x38;
	[tilespmem:$0x1F600] =	vst v63  }
0x1a: {  	_ =	swait.ge [sflag:s13], $0x100  }
0x1b: {  	[sflag:s13] =	ssyncset.done $0x0  }
0x1c: {  	[sflag:s13] =	ssyncadd.s32 $0xFFFFFF00  }
0x1d: {  	[tilespmem:s2], [sflag:$0x2] =	stream.linear.gather [hbm4b:s5+s2], $0x1F400, $0x38;
	[tilespmem:$0x1F600] =	vst v63  }
0x1e: {  	_ =	swait.ge [sflag:s13], $0x1F400  }
0x1f: {  	[sflag:s13] =	ssyncset.done $0x0  }
.Ltmp2:
0x20: {  	[sflag:s13] =	ssyncadd.s32 $0xFFFE0C00;
	(pc) =	sbr.rel .LBB2_2-.Ltmp2, $4  }
0x21: {  	[tilespmem:s14], [sflag:$0x2] =	stream.linear.gather [hbm4b:s6+s2], $0x80, $0x38;
	[tilespmem:$0x1F600] =	vst v63  }
0x22: {  	_ =	swait.ge [sflag:s13], $0x80  }
0x23: {  	s21 =	simm.s32 $0x1;
	s22 =	smov.u32 s9;
	[sflag:s13] =	ssyncset.done $0x0  }
0x24: {  	s23 =	smov.u32 s8;
	s24 =	simm.s32 $0x0;
	[sflag:s13] =	ssyncadd.s32 $0xFFFFFF80  }
.LBB2_4:
0x25: {  	v0 =	vld [tilespmem:$0x1F500]  }
0x26: {  	v1 =	vld [tilespmem:$0x1F520];
	_ =	sdelay $0x1  }
0x27: {  	v2 =	vld [tilespmem:$0x1F400];
	_ =	sdelay $0x1  }
0x28: {  	v0 =	vmul.u32 $0x1F400, v0  }
0x29: {  	v3 =	vand.u32 $0xFFFFFF80, v1  }
0x2a: {  	v1 =	vand.u32 $0x7F, v1;
	v3 =	vadd.s32 v0, v3  }
0x2b: {  	v2 =	vshll.u32 v2, $0x7;
	v1 =	vor.u32 v1, v3  }
0x2c: {  	v14 =	vld [tilespmem:$0x1F510];
	v1 =	vadd.s32 v2, v1;
	_ =	sdelay $0x4  }
0x2d: {  	[tilespmem:v1+s2+$0x0] =	vst.idx.msk $0xffff, v14  }
0x2e: {  	v1 =	vld [tilespmem:$0x1F530];
	_ =	sdelay $0x1  }
0x2f: {  	v15 =	vld [tilespmem:$0x1F410];
	_ =	sdelay $0x2  }
0x30: {  	v4 =	vand.u32 $0xFFFFFF80, v1  }
0x31: {  	v1 =	vand.u32 $0x7F, v1;
	v4 =	vadd.s32 v0, v4  }
0x32: {  	v2 =	vshll.u32 v15, $0x7;
	v1 =	vor.u32 v1, v4  }
0x33: {  	v1 =	vadd.s32 v2, v1;
	_ =	sdelay $0x4  }
0x34: {  	[tilespmem:v1+s2+$0x0] =	vst.idx.msk $0xffff, v14  }
0x35: {  	v1 =	vld [tilespmem:$0x1F540];
	_ =	sdelay $0x1  }
0x36: {  	v16 =	vld [tilespmem:$0x1F420];
	_ =	sdelay $0x2  }
0x37: {  	v17 =	vand.u32 $0xFFFFFF80, v1  }
0x38: {  	v1 =	vand.u32 $0x7F, v1;
	v4 =	vadd.s32 v0, v17  }
0x39: {  	v2 =	vshll.u32 v16, $0x7;
	v1 =	vor.u32 v1, v4  }
0x3a: {  	v1 =	vadd.s32 v2, v1;
	_ =	sdelay $0x4  }
0x3b: {  	[tilespmem:v1+s2+$0x0] =	vst.idx.msk $0xffff, v14  }
0x3c: {  	v1 =	vld [tilespmem:$0x1F550];
	_ =	sdelay $0x1  }
0x3d: {  	v18 =	vld [tilespmem:$0x1F430];
	_ =	sdelay $0x2  }
0x3e: {  	v19 =	vand.u32 $0xFFFFFF80, v1  }
0x3f: {  	v1 =	vand.u32 $0x7F, v1;
	v4 =	vadd.s32 v0, v19  }
0x40: {  	v2 =	vshll.u32 v18, $0x7;
	v1 =	vor.u32 v1, v4  }
0x41: {  	v1 =	vadd.s32 v2, v1;
	_ =	sdelay $0x4  }
0x42: {  	[tilespmem:v1+s2+$0x0] =	vst.idx.msk $0xffff, v14  }
0x43: {  	v1 =	vld [tilespmem:$0x1F560];
	_ =	sdelay $0x1  }
0x44: {  	v20 =	vld [tilespmem:$0x1F440];
	_ =	sdelay $0x2  }
0x45: {  	v21 =	vand.u32 $0xFFFFFF80, v1  }
0x46: {  	v1 =	vand.u32 $0x7F, v1;
	v4 =	vadd.s32 v0, v21  }
0x47: {  	v2 =	vshll.u32 v20, $0x7;
	v1 =	vor.u32 v1, v4  }
0x48: {  	v1 =	vadd.s32 v2, v1;
	_ =	sdelay $0x4  }
0x49: {  	[tilespmem:v1+s2+$0x0] =	vst.idx.msk $0xffff, v14  }
0x4a: {  	v1 =	vld [tilespmem:$0x1F570];
	_ =	sdelay $0x1  }
0x4b: {  	v22 =	vld [tilespmem:$0x1F450];
	_ =	sdelay $0x2  }
0x4c: {  	v23 =	vand.u32 $0xFFFFFF80, v1  }
0x4d: {  	v1 =	vand.u32 $0x7F, v1;
	v4 =	vadd.s32 v0, v23  }
0x4e: {  	v2 =	vshll.u32 v22, $0x7;
	v1 =	vor.u32 v1, v4  }
0x4f: {  	v1 =	vadd.s32 v2, v1;
	_ =	sdelay $0x4  }
0x50: {  	[tilespmem:v1+s2+$0x0] =	vst.idx.msk $0xffff, v14  }
0x51: {  	v1 =	vld [tilespmem:$0x1F580];
	_ =	sdelay $0x1  }
0x52: {  	v24 =	vld [tilespmem:$0x1F460];
	_ =	sdelay $0x2  }
0x53: {  	v25 =	vand.u32 $0xFFFFFF80, v1  }
0x54: {  	v1 =	vand.u32 $0x7F, v1;
	v4 =	vadd.s32 v0, v25  }
0x55: {  	v2 =	vshll.u32 v24, $0x7;
	v1 =	vor.u32 v1, v4  }
0x56: {  	v1 =	vadd.s32 v2, v1;
	_ =	sdelay $0x4  }
0x57: {  	[tilespmem:v1+s2+$0x0] =	vst.idx.msk $0xffff, v14  }
0x58: {  	v1 =	vld [tilespmem:$0x1F590];
	_ =	sdelay $0x1  }
0x59: {  	v26 =	vld [tilespmem:$0x1F470];
	_ =	sdelay $0x2  }
0x5a: {  	v27 =	vand.u32 $0xFFFFFF80, v1  }
0x5b: {  	v1 =	vand.u32 $0x7F, v1;
	v0 =	vadd.s32 v0, v27  }
0x5c: {  	v2 =	vshll.u32 v26, $0x7;
	v0 =	vor.u32 v1, v0  }
0x5d: {  	v0 =	vadd.s32 v2, v0;
	_ =	sdelay $0x4  }
0x5e: {  	s25 =	sadd.s32 s24, s10;
	[tilespmem:v0+s2+$0x0] =	vst.idx.msk $0xffff, v14  }
0x5f: {  	[hbm4b:s25+s15] =	stream.strided.scatter [tilespmem:s2], [sflag:$0x1], $0x1F400, s16, s15, $0x38;
	[tilespmem:$0x1F600] =	vst v63  }
0x60: {  	_ = 	snop  }
0x61: {  	[tilespmem:s17], [sflag:$0x3] =	stream.linear.gather [hbm4b:s22+s2], $0x80, $0x38;
	[tilespmem:$0x1F600] =	vst v63  }
0x62: {  	_ =	swait.ge [sflag:s18], $0x80  }
0x63: {  	[sflag:s18] =	ssyncset.done $0x0  }
0x64: {  	[sflag:s18] =	ssyncadd.s32 $0xFFFFFF80  }
0x65: {  	_ =	swait.ge [sflag:s19], $0x1F400  }
0x66: {  	[sflag:s19] =	ssyncset.done $0x0  }
0x67: {  	[sflag:s19] =	ssyncadd.s32 $0xFFFE0C00  }
0x68: {  	v28 =	vld [tilespmem:$0x1F500]  }
0x69: {  	v29 =	vld [tilespmem:$0x1F520];
	_ =	sdelay $0x1  }
0x6a: {  	v30 =	vld [tilespmem:$0x1F400];
	_ =	sdelay $0x1  }
0x6b: {  	v31 =	vmul.u32 $0x1F400, v28  }
0x6c: {  	v32 =	vand.u32 $0xFFFFFF80, v29  }
0x6d: {  	v1 =	vand.u32 $0x7F, v29;
	v4 =	vadd.s32 v31, v32  }
0x6e: {  	v2 =	vshll.u32 v30, $0x7;
	v1 =	vor.u32 v1, v4  }
0x6f: {  	v1 =	vadd.s32 v2, v1;
	_ =	sdelay $0x4  }
0x70: {  	[tilespmem:v1+s2+$0x0] =	vst.idx.msk $0xffff, v28  }
0x71: {  	v1 =	vld [tilespmem:$0x1F530];
	_ =	sdelay $0x1  }
0x72: {  	v33 =	vld [tilespmem:$0x1F410];
	_ =	sdelay $0x2  }
0x73: {  	v34 =	vand.u32 $0xFFFFFF80, v1  }
0x74: {  	v1 =	vand.u32 $0x7F, v1;
	v4 =	vadd.s32 v31, v34  }
0x75: {  	v2 =	vshll.u32 v33, $0x7;
	v1 =	vor.u32 v1, v4  }
0x76: {  	v1 =	vadd.s32 v2, v1;
	_ =	sdelay $0x4  }
0x77: {  	[tilespmem:v1+s2+$0x0] =	vst.idx.msk $0xffff, v28  }
0x78: {  	v1 =	vld [tilespmem:$0x1F540];
	_ =	sdelay $0x1  }
0x79: {  	v35 =	vld [tilespmem:$0x1F420];
	_ =	sdelay $0x2  }
0x7a: {  	v36 =	vand.u32 $0xFFFFFF80, v1  }
0x7b: {  	v1 =	vand.u32 $0x7F, v1;
	v4 =	vadd.s32 v31, v36  }
0x7c: {  	v2 =	vshll.u32 v35, $0x7;
	v1 =	vor.u32 v1, v4  }
0x7d: {  	v1 =	vadd.s32 v2, v1;
	_ =	sdelay $0x4  }
0x7e: {  	[tilespmem:v1+s2+$0x0] =	vst.idx.msk $0xffff, v28  }
0x7f: {  	v1 =	vld [tilespmem:$0x1F550];
	_ =	sdelay $0x1  }
0x80: {  	v37 =	vld [tilespmem:$0x1F430];
	_ =	sdelay $0x2  }
0x81: {  	v38 =	vand.u32 $0xFFFFFF80, v1  }
0x82: {  	v1 =	vand.u32 $0x7F, v1;
	v4 =	vadd.s32 v31, v38  }
0x83: {  	v2 =	vshll.u32 v37, $0x7;
	v1 =	vor.u32 v1, v4  }
0x84: {  	v1 =	vadd.s32 v2, v1;
	_ =	sdelay $0x4  }
0x85: {  	[tilespmem:v1+s2+$0x0] =	vst.idx.msk $0xffff, v28  }
0x86: {  	v1 =	vld [tilespmem:$0x1F560];
	_ =	sdelay $0x1  }
0x87: {  	v39 =	vld [tilespmem:$0x1F440];
	_ =	sdelay $0x2  }
0x88: {  	v40 =	vand.u32 $0xFFFFFF80, v1  }
0x89: {  	v1 =	vand.u32 $0x7F, v1;
	v4 =	vadd.s32 v31, v40  }
0x8a: {  	v2 =	vshll.u32 v39, $0x7;
	v1 =	vor.u32 v1, v4  }
0x8b: {  	v1 =	vadd.s32 v2, v1;
	_ =	sdelay $0x4  }
0x8c: {  	[tilespmem:v1+s2+$0x0] =	vst.idx.msk $0xffff, v28  }
0x8d: {  	v1 =	vld [tilespmem:$0x1F570];
	_ =	sdelay $0x1  }
0x8e: {  	v41 =	vld [tilespmem:$0x1F450];
	_ =	sdelay $0x2  }
0x8f: {  	v42 =	vand.u32 $0xFFFFFF80, v1  }
0x90: {  	v1 =	vand.u32 $0x7F, v1;
	v4 =	vadd.s32 v31, v42  }
0x91: {  	v2 =	vshll.u32 v41, $0x7;
	v1 =	vor.u32 v1, v4  }
0x92: {  	v1 =	vadd.s32 v2, v1;
	_ =	sdelay $0x4  }
0x93: {  	[tilespmem:v1+s2+$0x0] =	vst.idx.msk $0xffff, v28  }
0x94: {  	v1 =	vld [tilespmem:$0x1F580];
	_ =	sdelay $0x1  }
0x95: {  	v43 =	vld [tilespmem:$0x1F460];
	_ =	sdelay $0x2  }
0x96: {  	v44 =	vand.u32 $0xFFFFFF80, v1  }
0x97: {  	v1 =	vand.u32 $0x7F, v1;
	v4 =	vadd.s32 v31, v44  }
0x98: {  	v2 =	vshll.u32 v43, $0x7;
	v1 =	vor.u32 v1, v4  }
0x99: {  	v1 =	vadd.s32 v2, v1;
	_ =	sdelay $0x4  }
0x9a: {  	[tilespmem:v1+s2+$0x0] =	vst.idx.msk $0xffff, v28  }
0x9b: {  	v1 =	vld [tilespmem:$0x1F590];
	_ =	sdelay $0x1  }
0x9c: {  	v45 =	vld [tilespmem:$0x1F470];
	_ =	sdelay $0x2  }
0x9d: {  	v46 =	vand.u32 $0xFFFFFF80, v1  }
0x9e: {  	v1 =	vand.u32 $0x7F, v1;
	v3 =	vadd.s32 v31, v46  }
0x9f: {  	v2 =	vshll.u32 v45, $0x7;
	v1 =	vor.u32 v1, v3  }
0xa0: {  	v1 =	vadd.s32 v2, v1;
	_ =	sdelay $0x4  }
0xa1: {  	[tilespmem:v1+s2+$0x0] =	vst.idx.msk $0xffff, v28  }
0xa2: {  	v0 =	vld [tilespmem:$0x1F500]  }
0xa3: {  	v1 =	vld [tilespmem:$0x1F520];
	_ =	sdelay $0x1  }
0xa4: {  	v47 =	vld [tilespmem:$0x1F480];
	_ =	sdelay $0x1  }
0xa5: {  	v0 =	vmul.u32 $0x1F400, v0  }
0xa6: {  	v48 =	vand.u32 $0xFFFFFF80, v1  }
0xa7: {  	v1 =	vand.u32 $0x7F, v1;
	v3 =	vadd.s32 v0, v48  }
0xa8: {  	v2 =	vshll.u32 v47, $0x7;
	v1 =	vor.u32 v1, v3  }
0xa9: {  	v49 =	vld [tilespmem:$0x1F510];
	v1 =	vadd.s32 v2, v1;
	_ =	sdelay $0x4  }
0xaa: {  	[tilespmem:v1+s2+$0x0] =	vst.idx.msk $0xffff, v49  }
0xab: {  	v1 =	vld [tilespmem:$0x1F530];
	_ =	sdelay $0x1  }
0xac: {  	v50 =	vld [tilespmem:$0x1F490];
	_ =	sdelay $0x2  }
0xad: {  	v51 =	vand.u32 $0xFFFFFF80, v1  }
0xae: {  	v1 =	vand.u32 $0x7F, v1;
	v4 =	vadd.s32 v0, v51  }
0xaf: {  	v2 =	vshll.u32 v50, $0x7;
	v1 =	vor.u32 v1, v4  }
0xb0: {  	v1 =	vadd.s32 v2, v1;
	_ =	sdelay $0x4  }
0xb1: {  	[tilespmem:v1+s2+$0x0] =	vst.idx.msk $0xffff, v49  }
0xb2: {  	v1 =	vld [tilespmem:$0x1F540];
	_ =	sdelay $0x1  }
0xb3: {  	v52 =	vld [tilespmem:$0x1F4A0];
	_ =	sdelay $0x2  }
0xb4: {  	v53 =	vand.u32 $0xFFFFFF80, v1  }
0xb5: {  	v1 =	vand.u32 $0x7F, v1;
	v4 =	vadd.s32 v0, v53  }
0xb6: {  	v2 =	vshll.u32 v52, $0x7;
	v1 =	vor.u32 v1, v4  }
0xb7: {  	v1 =	vadd.s32 v2, v1;
	_ =	sdelay $0x4  }
0xb8: {  	[tilespmem:v1+s2+$0x0] =	vst.idx.msk $0xffff, v49  }
0xb9: {  	v1 =	vld [tilespmem:$0x1F550];
	_ =	sdelay $0x1  }
0xba: {  	v54 =	vld [tilespmem:$0x1F4B0];
	_ =	sdelay $0x2  }
0xbb: {  	v55 =	vand.u32 $0xFFFFFF80, v1  }
0xbc: {  	v1 =	vand.u32 $0x7F, v1;
	v4 =	vadd.s32 v0, v55  }
0xbd: {  	v2 =	vshll.u32 v54, $0x7;
	v1 =	vor.u32 v1, v4  }
0xbe: {  	v1 =	vadd.s32 v2, v1;
	_ =	sdelay $0x4  }
0xbf: {  	[tilespmem:v1+s2+$0x0] =	vst.idx.msk $0xffff, v49  }
0xc0: {  	v1 =	vld [tilespmem:$0x1F560];
	_ =	sdelay $0x1  }
0xc1: {  	v56 =	vld [tilespmem:$0x1F4C0];
	_ =	sdelay $0x2  }
0xc2: {  	v57 =	vand.u32 $0xFFFFFF80, v1  }
0xc3: {  	v1 =	vand.u32 $0x7F, v1;
	v4 =	vadd.s32 v0, v57  }
0xc4: {  	v2 =	vshll.u32 v56, $0x7;
	v1 =	vor.u32 v1, v4  }
0xc5: {  	v1 =	vadd.s32 v2, v1;
	_ =	sdelay $0x4  }
0xc6: {  	[tilespmem:v1+s2+$0x0] =	vst.idx.msk $0xffff, v49  }
0xc7: {  	v1 =	vld [tilespmem:$0x1F570];
	_ =	sdelay $0x1  }
0xc8: {  	v58 =	vld [tilespmem:$0x1F4D0];
	_ =	sdelay $0x2  }
0xc9: {  	v59 =	vand.u32 $0xFFFFFF80, v1  }
0xca: {  	v1 =	vand.u32 $0x7F, v1;
	v4 =	vadd.s32 v0, v59  }
0xcb: {  	v2 =	vshll.u32 v58, $0x7;
	v1 =	vor.u32 v1, v4  }
0xcc: {  	v1 =	vadd.s32 v2, v1;
	_ =	sdelay $0x4  }
0xcd: {  	[tilespmem:v1+s2+$0x0] =	vst.idx.msk $0xffff, v49  }
0xce: {  	v1 =	vld [tilespmem:$0x1F580];
	_ =	sdelay $0x1  }
0xcf: {  	v60 =	vld [tilespmem:$0x1F4E0];
	_ =	sdelay $0x2  }
0xd0: {  	v61 =	vand.u32 $0xFFFFFF80, v1  }
0xd1: {  	v1 =	vand.u32 $0x7F, v1;
	v4 =	vadd.s32 v0, v61  }
0xd2: {  	v2 =	vshll.u32 v60, $0x7;
	v1 =	vor.u32 v1, v4  }
0xd3: {  	v1 =	vadd.s32 v2, v1;
	_ =	sdelay $0x4  }
0xd4: {  	[tilespmem:v1+s2+$0x0] =	vst.idx.msk $0xffff, v49  }
0xd5: {  	v1 =	vld [tilespmem:$0x1F590];
	_ =	sdelay $0x1  }
0xd6: {  	v62 =	vld [tilespmem:$0x1F4F0];
	_ =	sdelay $0x2  }
0xd7: {  	v63 =	vand.u32 $0xFFFFFF80, v1  }
0xd8: {  	v1 =	vand.u32 $0x7F, v1;
	v0 =	vadd.s32 v0, v63  }
0xd9: {  	v2 =	vshll.u32 v62, $0x7;
	v0 =	vor.u32 v1, v0  }
0xda: {  	v0 =	vadd.s32 v2, v0;
	_ =	sdelay $0x3  }
0xdb: {  	p0 =	sgt.u32 s21, $0x18  }
0xdc: {  	s31 =	sadd.s32 s24, s11;
	s25 =	sshrl.u32 @!p0 s23, $0x3;
	[tilespmem:v0+s2+$0x0] =	vst.idx.msk $0xffff, v49  }
0xdd: {  	[hbm4b:s31+s15] =	stream.strided.scatter [tilespmem:s2], [sflag:$0x1], $0x1F400, s16, s15, $0x38;
	[tilespmem:$0x1F600] =	vst v63  }
0xde: {  	s26 =	simm.s32 @!p0 $0x0;
	s28 =	simm.s32 @!p0 $0x1F400;
	s25 =	sadd.s32 @!p0 s3, s25  }
0xdf: {  	[tilespmem:s28], [sflag:$0x2] =	stream.linear.gather @!p0 [hbm4b:s25+s26], $0x80, $0x38;
	[tilespmem:$0x1F600] =	vst v63  }
0xe0: {  	s25 =	simm.s32 @!p0 $0x2  }
0xe1: {  	_ =	swait.ge @!p0 [sflag:s25], $0x80  }
0xe2: {  	s24 =	sadd.s32 $0xFA000, s24;
	[sflag:s25] =	ssyncset.done @!p0 $0x0  }
0xe3: {  	[sflag:s25] =	ssyncadd.s32 @!p0 $0xFFFFFF80;
	p0 =	sne.s32 s24, $0xCB2000  }
.Ltmp3:
0xe4: {  	_ = 	snop;
	(pc) =	sbr.rel @!p0 .LBB2_5-.Ltmp3, $2  }
0xe5: {  	_ =	sdelay $0x2  }
0xe6: {  	s21 =	sadd.s32 $0x2, s21;
	s23 =	sadd.s32 $0x100, s23;
	s22 =	sadd.s32 $0x20, s22  }
.LBB2_2:
0xe7: {  	p0 =	seq.s32 s24, $0x0  }
.Ltmp4:
0xe8: {  	_ = 	snop;
	(pc) =	sbr.rel @p0 .LBB2_4-.Ltmp4, $1  }
0xe9: {  	_ =	sdelay $0x3  }
0xea: {  	_ =	swait.ge [sflag:s19], $0x1F400  }
0xeb: {  	[sflag:s19] =	ssyncset.done $0x0  }
0xec: {  	[sflag:s19] =	ssyncadd.s32 $0xFFFE0C00  }
0xed: {  	v0 =	vld [tilespmem:$0x1F500]  }
0xee: {  	v1 =	vld [tilespmem:$0x1F520];
	_ =	sdelay $0x1  }
0xef: {  	v2 =	vld [tilespmem:$0x1F480];
	_ =	sdelay $0x1  }
0xf0: {  	v3 =	vmul.u32 $0x1F400, v0  }
0xf1: {  	v4 =	vand.u32 $0xFFFFFF80, v1  }
0xf2: {  	v1 =	vand.u32 $0x7F, v1;
	v4 =	vadd.s32 v3, v4  }
0xf3: {  	v2 =	vshll.u32 v2, $0x7;
	v1 =	vor.u32 v1, v4  }
0xf4: {  	v1 =	vadd.s32 v2, v1;
	_ =	sdelay $0x4  }
0xf5: {  	[tilespmem:v1+s2+$0x0] =	vst.idx.msk $0xffff, v0  }
0xf6: {  	v1 =	vld [tilespmem:$0x1F530];
	_ =	sdelay $0x1  }
0xf7: {  	v50 =	vld [tilespmem:$0x1F490];
	_ =	sdelay $0x2  }
0xf8: {  	v51 =	vand.u32 $0xFFFFFF80, v1  }
0xf9: {  	v1 =	vand.u32 $0x7F, v1;
	v4 =	vadd.s32 v3, v51  }
0xfa: {  	v2 =	vshll.u32 v50, $0x7;
	v1 =	vor.u32 v1, v4  }
0xfb: {  	v1 =	vadd.s32 v2, v1;
	_ =	sdelay $0x4  }
0xfc: {  	[tilespmem:v1+s2+$0x0] =	vst.idx.msk $0xffff, v0  }
0xfd: {  	v1 =	vld [tilespmem:$0x1F540];
	_ =	sdelay $0x1  }
0xfe: {  	v52 =	vld [tilespmem:$0x1F4A0];
	_ =	sdelay $0x2  }
0xff: {  	v53 =	vand.u32 $0xFFFFFF80, v1  }
0x100: {  	v1 =	vand.u32 $0x7F, v1;
	v4 =	vadd.s32 v3, v53  }
0x101: {  	v2 =	vshll.u32 v52, $0x7;
	v1 =	vor.u32 v1, v4  }
0x102: {  	v1 =	vadd.s32 v2, v1;
	_ =	sdelay $0x4  }
0x103: {  	[tilespmem:v1+s2+$0x0] =	vst.idx.msk $0xffff, v0  }
0x104: {  	v1 =	vld [tilespmem:$0x1F550];
	_ =	sdelay $0x1  }
0x105: {  	v54 =	vld [tilespmem:$0x1F4B0];
	_ =	sdelay $0x2  }
0x106: {  	v55 =	vand.u32 $0xFFFFFF80, v1  }
0x107: {  	v1 =	vand.u32 $0x7F, v1;
	v4 =	vadd.s32 v3, v55  }
0x108: {  	v2 =	vshll.u32 v54, $0x7;
	v1 =	vor.u32 v1, v4  }
0x109: {  	v1 =	vadd.s32 v2, v1;
	_ =	sdelay $0x4  }
0x10a: {  	[tilespmem:v1+s2+$0x0] =	vst.idx.msk $0xffff, v0  }
0x10b: {  	v1 =	vld [tilespmem:$0x1F560];
	_ =	sdelay $0x1  }
0x10c: {  	v56 =	vld [tilespmem:$0x1F4C0];
	_ =	sdelay $0x2  }
0x10d: {  	v57 =	vand.u32 $0xFFFFFF80, v1  }
0x10e: {  	v1 =	vand.u32 $0x7F, v1;
	v4 =	vadd.s32 v3, v57  }
0x10f: {  	v2 =	vshll.u32 v56, $0x7;
	v1 =	vor.u32 v1, v4  }
0x110: {  	v1 =	vadd.s32 v2, v1;
	_ =	sdelay $0x4  }
0x111: {  	[tilespmem:v1+s2+$0x0] =	vst.idx.msk $0xffff, v0  }
0x112: {  	v1 =	vld [tilespmem:$0x1F570];
	_ =	sdelay $0x1  }
0x113: {  	v58 =	vld [tilespmem:$0x1F4D0];
	_ =	sdelay $0x2  }
0x114: {  	v59 =	vand.u32 $0xFFFFFF80, v1  }
0x115: {  	v1 =	vand.u32 $0x7F, v1;
	v4 =	vadd.s32 v3, v59  }
0x116: {  	v2 =	vshll.u32 v58, $0x7;
	v1 =	vor.u32 v1, v4  }
0x117: {  	v1 =	vadd.s32 v2, v1;
	_ =	sdelay $0x4  }
0x118: {  	[tilespmem:v1+s2+$0x0] =	vst.idx.msk $0xffff, v0  }
0x119: {  	v1 =	vld [tilespmem:$0x1F580];
	_ =	sdelay $0x1  }
0x11a: {  	v60 =	vld [tilespmem:$0x1F4E0];
	_ =	sdelay $0x2  }
0x11b: {  	v61 =	vand.u32 $0xFFFFFF80, v1  }
0x11c: {  	v1 =	vand.u32 $0x7F, v1;
	v4 =	vadd.s32 v3, v61  }
0x11d: {  	v2 =	vshll.u32 v60, $0x7;
	v1 =	vor.u32 v1, v4  }
0x11e: {  	v1 =	vadd.s32 v2, v1;
	_ =	sdelay $0x4  }
0x11f: {  	[tilespmem:v1+s2+$0x0] =	vst.idx.msk $0xffff, v0  }
0x120: {  	v1 =	vld [tilespmem:$0x1F590];
	_ =	sdelay $0x1  }
0x121: {  	v62 =	vld [tilespmem:$0x1F4F0];
	_ =	sdelay $0x2  }
0x122: {  	v63 =	vand.u32 $0xFFFFFF80, v1  }
0x123: {  	v1 =	vand.u32 $0x7F, v1;
	v3 =	vadd.s32 v3, v63  }
0x124: {  	v2 =	vshll.u32 v62, $0x7;
	v1 =	vor.u32 v1, v3  }
0x125: {  	v1 =	vadd.s32 v2, v1  }
.Ltmp5:
0x126: {  	_ = 	snop;
	(pc) =	sbr.rel .LBB2_4-.Ltmp5, $2  }
0x127: {  	_ =	sdelay $0x2  }
0x128: {  	[tilespmem:v1+s2+$0x0] =	vst.idx.msk $0xffff, v0  }
.LBB2_6:
0x129: {  	_ =	sfence.sel $0x180000  }
0x12a: {  	[bflag:$0x0] =	sbarrier.arrive $0xFFFF  }
0x12b: {  	p0 =	sne.s32 s1, $0x0;
	_ =	strace $0x90000047  }
0x12c: {  	s0 =	sadd.s32 @!p0 $0x100000, s0;
	[bflag:$0x2] =	sbarrier.arrive $0xFFFF  }
0x12d: {  	[sflag:s0] =	ssyncadd.tile.s32 @!p0 $0x1;
	_ =	shalt  }
.Lfunc_end2:
_tile_overlayer_lowered:
.L_overlay_start_2:
0x12e: {  	(tag) =	ssettag $0x2  }
0x12f: {  	s0 =	rddreg [dreg:$0x0];
	s2 =	stileid.u32  }
0x130: {  	s1 =	rddreg [dreg:$0x1];
	p0 =	sne.s32 s2, $0x0  }
0x131: {  	s3 =	rddreg [dreg:$0x2];
	[bflag:$0x3] =	sbarrier.arrive $0xFFFF;
	s2 =	simm.s32 @!p0 $0x1C02  }
0x132: {  	[timem:s3], [sflag:s2] =	dma.local @!p0 [hbm:s0], s1  }
0x133: {  	s0 =	simm.s32 @!p0 $0x2  }
0x134: {  	_ =	swait.ge @!p0 [sflag:s0], s1  }
0x135: {  	s1 =	ssub.s32 @!p0 $0x0, s1;
	[sflag:s0] =	ssyncset.done @!p0 $0x0  }
0x136: {  	[sflag:s0] =	ssyncadd.s32 @!p0 s1  }
0x137: {  	[bflag:$0x3] =	sbarrier.arrive $0xFFFF  }
0x138: {  	_ =	shalt  }

</sc_bundles>
